<compile_context>
chip_gen: v7x
topology: tpu7x:2x2x1
jax: 0.10.2.dev20260603
libtpu: 0.0.44.dev20260713+nightly
codegen_flags: <defaults>
</compile_context>

<pallas_src>
import functools

import jax
import jax.numpy as jnp
from jax import lax
from jax.experimental import pallas as pl
from jax.experimental.pallas import tpu as pltpu
from jax.experimental.pallas import tpu_sc as plsc

NUM_LAYERS = 24
TOK_PER_LAYER = 16384
E = 64
K = 8
N_TOK = NUM_LAYERS * TOK_PER_LAYER
NUM_WORKERS = 32
TOK_PER_TILE = N_TOK // NUM_WORKERS
T_CHUNK = 512
N_CHUNKS = TOK_PER_TILE // T_CHUNK


def _tile_body(logits_hbm, mask_hbm, out_hbm, lbuf, mbuf, obuf):
    wid = lax.axis_index("s") * 2 + lax.axis_index("c")
    tile_start = wid * TOK_PER_TILE

    pltpu.sync_copy(mask_hbm, mbuf)

    iota = lax.iota(jnp.int32, 16)
    idx_lo8 = iota & 7
    sel_lo = iota < 8
    tau_idx = jnp.full((16,), 7, jnp.int32)

    def lane_gather(x, idx):
        return lax.gather(
            x,
            idx[:, None],
            dimension_numbers=lax.GatherDimensionNumbers(
                offset_dims=(), collapsed_slice_dims=(0,),
                start_index_map=(0,)),
            slice_sizes=(1,),
            mode=lax.GatherScatterMode.PROMISE_IN_BOUNDS,
        )

    def sortd(x):
        res = plsc.sort_key_val(x, x, descending=True)
        return res[-1] if isinstance(res, (tuple, list)) else res

    def merge(a, b):
        return sortd(jnp.where(sel_lo, a, lane_gather(b, idx_lo8)))

    def lane_sum_splat(x):
        for sh in (8, 4, 2, 1):
            x = x + lane_gather(x, iota ^ sh)
        return x

    def token_body(i, carry):
        c0, c1, c2, c3, p0, p1, p2, p3, tok = carry
        base = i * E
        v0 = lbuf[pl.ds(base, 16)]
        v1 = lbuf[pl.ds(base + 16, 16)]
        v2 = lbuf[pl.ds(base + 32, 16)]
        v3 = lbuf[pl.ds(base + 48, 16)]

        e0 = jnp.exp(v0)
        e1 = jnp.exp(v1)
        e2 = jnp.exp(v2)
        e3 = jnp.exp(v3)
        denom = lane_sum_splat((e0 + e1) + (e2 + e3))

        s0 = sortd(v0)
        s1 = sortd(v1)
        s2 = sortd(v2)
        s3 = sortd(v3)
        f = merge(merge(s0, s1), merge(s2, s3))
        tau = lane_gather(f, tau_idx)

        j = lax.rem(tok, TOK_PER_LAYER)
        lane = lax.rem(tok, 16)
        mv = mbuf[pl.ds(j - lane, 16)]
        m = lane_gather(mv, jnp.full((16,), lane, jnp.int32))
        w = m / denom
        zero = jnp.zeros((16,), jnp.float32)
        return (
            c0 + jnp.where(v0 >= tau, m, zero),
            c1 + jnp.where(v1 >= tau, m, zero),
            c2 + jnp.where(v2 >= tau, m, zero),
            c3 + jnp.where(v3 >= tau, m, zero),
            p0 + e0 * w,
            p1 + e1 * w,
            p2 + e2 * w,
            p3 + e3 * w,
            tok + 1,
        )

    def chunk_body(c, carry):
        chunk_start = tile_start + c * T_CHUNK
        pltpu.sync_copy(
            logits_hbm.at[pl.ds(chunk_start * E, T_CHUNK * E)], lbuf
        )
        return lax.fori_loop(0, T_CHUNK, token_body, carry)

    zeros = jnp.zeros((16,), jnp.float32)
    init = (zeros,) * 8 + (tile_start,)
    res = lax.fori_loop(0, N_CHUNKS, chunk_body, init)

    for j in range(4):
        obuf[pl.ds(j * 16, 16)] = res[j]
        obuf[pl.ds(64 + j * 16, 16)] = res[4 + j]
    pltpu.sync_copy(obuf, out_hbm.at[pl.ds(wid * 128, 128)])


@jax.jit
def kernel(router_logits, mask):
    logits_flat = router_logits.reshape(-1)
    mask_flat = mask.reshape(-1).astype(jnp.float32)

    mesh = plsc.VectorSubcoreMesh(core_axis_name="c", subcore_axis_name="s")
    partials = pl.kernel(
        _tile_body,
        mesh=mesh,
        compiler_params=pltpu.CompilerParams(needs_layout_passes=False),
        out_type=jax.ShapeDtypeStruct((NUM_WORKERS * 128,), jnp.float32),
        scratch_types=[
            pltpu.VMEM((T_CHUNK * E,), jnp.float32),
            pltpu.VMEM((TOK_PER_LAYER,), jnp.float32),
            pltpu.VMEM((128,), jnp.float32),
        ],
    )(logits_flat, mask_flat)

    parts = partials.reshape(NUM_WORKERS, 2, 64)
    C = parts[:, 0, :].sum(axis=0)
    P = parts[:, 1, :].sum(axis=0)
    S = jnp.sum(mask_flat) * NUM_LAYERS
    return jnp.float32(E) * jnp.dot(C, P) / (S * S)

# --- scband reference (transcript-rebuilt; emitter-appended) ---
"""Pipeline reference for scband-moe-loss-77592879169924 (READ-ONLY COPY).

The authoritative reference and input builder live on the scoring server;
editing this copy changes nothing except your own understanding.
"""

import jax, jax.numpy as jnp
import numpy as np

NUM_EXPERTS = 64
TOP_K = 8


def setup_inputs(seed: int = 0) -> dict:
    key = jax.random.key(seed)
    k1, k2 = jax.random.split(key)
    # ff_caches is a list of 24 per-layer dicts, each with 'router_logits' of shape (b*s, E).
    # We materialize it as a single stacked tensor [L, b*s, E]; torch.cat(dim=0) == reshape(-1, E).
    router_logits = jax.random.normal(k1, (24, 16384, 64), dtype=jnp.float32)
    mask = jax.random.randint(k2, (4, 4096), 0, 2).astype(jnp.float32)
    return {"router_logits": router_logits, "mask": mask}


def reference(router_logits, mask):
    E = NUM_EXPERTS
    K = TOP_K
    # torch.cat([l for l in layers], dim=0)
    concatenated_gate_logits = router_logits.reshape(-1, E)
    routing_weights = jax.nn.softmax(concatenated_gate_logits, axis=-1)
    _, selected_experts = jax.lax.top_k(routing_weights, K)
    expert_mask = jax.nn.one_hot(selected_experts, E, dtype=jnp.float32)  # (N, K, E)
    batch_size, sequence_length = mask.shape
    num_hidden_layers = concatenated_gate_logits.shape[0] // (batch_size * sequence_length)
    expert_attention_mask = jnp.broadcast_to(
        mask[None, :, :, None, None],
        (num_hidden_layers, batch_size, sequence_length, K, E),
    ).reshape(-1, K, E)
    tokens_per_expert = jnp.sum(expert_mask * expert_attention_mask, axis=0) / jnp.sum(expert_attention_mask, axis=0)
    router_per_expert_attention_mask = jnp.broadcast_to(
        mask[None, :, :, None],
        (num_hidden_layers, batch_size, sequence_length, E),
    ).reshape(-1, E)
    router_prob_per_expert = jnp.sum(routing_weights * router_per_expert_attention_mask, axis=0) / jnp.sum(router_per_expert_attention_mask, axis=0)
    overall_loss = jnp.sum(tokens_per_expert * router_prob_per_expert[None, :])
    return overall_loss * E

if __name__ == "__main__":
    import jax
    _d = setup_inputs()
    print(jax.jit(kernel)(*tuple(_d.values())))

</pallas_src>

<mosaic_0001>
#map = affine_map<(d0, d1) -> (0)>
module attributes {stable_mosaic.version = 14 : i64} {
  func.func @_tile_body(%arg0: i32, %arg1: i32, %arg2: memref<25165824xf32, #tpu.memory_space<hbm>>, %arg3: memref<16384xf32, #tpu.memory_space<hbm>>, %arg4: memref<4096xf32, #tpu.memory_space<hbm>>, %arg5: memref<32768xf32, #tpu.memory_space<vmem>>, %arg6: memref<16384xf32, #tpu.memory_space<vmem>>, %arg7: memref<128xf32, #tpu.memory_space<vmem>>) attributes {dimension_semantics = [#tpu.dimension_semantics<core_parallel>, #tpu.dimension_semantics<subcore_parallel>], iteration_bounds = array<i64: 2, 16>, scalar_prefetch = 0 : i64, scratch_operands = 3 : i64, tpu.core_type = #tpu.core_type<sc_vector_subcore>, window_params = [{transform_indices = #map}, {transform_indices = #map}, {transform_indices = #map}]} {
    %mul3A = arith.constant 2 : i32
    %mul3A_0 = arith.muli %arg1, %mul3A : i32
    %add3A = arith.addi %mul3A_0, %arg0 : i32
    %mul3A_1 = arith.constant 12288 : i32
    %mul3A_2 = arith.muli %add3A, %mul3A_1 : i32
    "tpu.region"() ({
      %run_scoped3A = tpu.sem_alloc : memref<!tpu.dma_semaphore, #tpu.memory_space<semaphore_mem>>
      tpu.enqueue_dma source(%arg3 : memref<16384xf32, #tpu.memory_space<hbm>>) target(%arg6 : memref<16384xf32, #tpu.memory_space<vmem>>) target_semaphore(%run_scoped3A : memref<!tpu.dma_semaphore, #tpu.memory_space<semaphore_mem>>)
      tpu.wait_dma2 semaphore(%run_scoped3A : memref<!tpu.dma_semaphore, #tpu.memory_space<semaphore_mem>>) src(%arg3 : memref<16384xf32, #tpu.memory_space<hbm>>) dst(%arg6 : memref<16384xf32, #tpu.memory_space<vmem>>)
      tpu.yield
    }) : () -> ()
    %iota3A = tpu.iota {dimensions = array<i32: 0>} : vector<16xi32>
    %and3A = arith.constant 7 : i32
    %and3A_3 = vector.broadcast %and3A : i32 to vector<16xi32>
    %and3A_4 = arith.andi %iota3A, %and3A_3 : vector<16xi32>
    %lt3A = arith.constant 8 : i32
    %lt3A_5 = vector.broadcast %lt3A : i32 to vector<16xi32>
    %lt3A_6 = arith.cmpi slt, %iota3A, %lt3A_5 : vector<16xi32>
    %broadcast_in_dim3A = arith.constant 7 : i32
    %broadcast_in_dim3A_7 = vector.broadcast %broadcast_in_dim3A : i32 to vector<16xi32>
    %broadcast_in_dim3A_8 = arith.constant 0.000000e+00 : f32
    %broadcast_in_dim3A_9 = vector.broadcast %broadcast_in_dim3A_8 : f32 to vector<16xf32>
    %scan3A = arith.constant 0 : i32
    %scan3A_10 = arith.constant 24 : i32
    %scan3A_11 = arith.addi %scan3A, %scan3A_10 : i32
    %scan3A_12 = arith.constant 1 : i32
    %scan3A_13:9 = scf.for %scan3A_32 = %scan3A to %scan3A_11 step %scan3A_12 iter_args(%scan3A_33 = %broadcast_in_dim3A_9, %scan3A_34 = %broadcast_in_dim3A_9, %scan3A_35 = %broadcast_in_dim3A_9, %scan3A_36 = %broadcast_in_dim3A_9, %scan3A_37 = %broadcast_in_dim3A_9, %scan3A_38 = %broadcast_in_dim3A_9, %scan3A_39 = %broadcast_in_dim3A_9, %scan3A_40 = %broadcast_in_dim3A_9, %scan3A_41 = %mul3A_2) -> (vector<16xf32>, vector<16xf32>, vector<16xf32>, vector<16xf32>, vector<16xf32>, vector<16xf32>, vector<16xf32>, vector<16xf32>, i32)  : i32 {
      %mul3A_42 = arith.constant 512 : i32
      %mul3A_43 = arith.muli %scan3A_32, %mul3A_42 : i32
      %add3A_44 = arith.addi %mul3A_2, %mul3A_43 : i32
      %mul3A_45 = arith.constant 64 : i32
      %mul3A_46 = arith.muli %add3A_44, %mul3A_45 : i32
      "tpu.region"() ({
        %run_scoped3A = tpu.sem_alloc : memref<!tpu.dma_semaphore, #tpu.memory_space<semaphore_mem>>
        %dma_start3A = tpu.memref_slice %arg2[%mul3A_46] : memref<25165824xf32, #tpu.memory_space<hbm>> -> memref<32768xf32, #tpu.memory_space<hbm>>
        %dma_start3A_53 = tpu.memref_slice %arg2[%mul3A_46] : memref<25165824xf32, #tpu.memory_space<hbm>> -> memref<32768xf32, #tpu.memory_space<hbm>>
        tpu.enqueue_dma source(%dma_start3A_53 : memref<32768xf32, #tpu.memory_space<hbm>>) target(%arg5 : memref<32768xf32, #tpu.memory_space<vmem>>) target_semaphore(%run_scoped3A : memref<!tpu.dma_semaphore, #tpu.memory_space<semaphore_mem>>)
        %dma_wait3A = tpu.memref_slice %arg2[%mul3A_46] : memref<25165824xf32, #tpu.memory_space<hbm>> -> memref<32768xf32, #tpu.memory_space<hbm>>
        %dma_wait3A_54 = tpu.memref_slice %arg2[%mul3A_46] : memref<25165824xf32, #tpu.memory_space<hbm>> -> memref<32768xf32, #tpu.memory_space<hbm>>
        tpu.wait_dma2 semaphore(%run_scoped3A : memref<!tpu.dma_semaphore, #tpu.memory_space<semaphore_mem>>) src(%dma_wait3A_54 : memref<32768xf32, #tpu.memory_space<hbm>>) dst(%arg5 : memref<32768xf32, #tpu.memory_space<vmem>>)
        tpu.yield
      }) : () -> ()
      %scan3A_47 = arith.constant 0 : i32
      %scan3A_48 = arith.constant 512 : i32
      %scan3A_49 = arith.addi %scan3A_47, %scan3A_48 : i32
      %scan3A_50 = arith.constant 1 : i32
      %scan3A_51:9 = scf.for %scan3A_53 = %scan3A_47 to %scan3A_49 step %scan3A_50 iter_args(%scan3A_54 = %scan3A_33, %scan3A_55 = %scan3A_34, %scan3A_56 = %scan3A_35, %scan3A_57 = %scan3A_36, %scan3A_58 = %scan3A_37, %scan3A_59 = %scan3A_38, %scan3A_60 = %scan3A_39, %scan3A_61 = %scan3A_40, %scan3A_62 = %scan3A_41) -> (vector<16xf32>, vector<16xf32>, vector<16xf32>, vector<16xf32>, vector<16xf32>, vector<16xf32>, vector<16xf32>, vector<16xf32>, i32)  : i32 {
        %mul3A_63 = arith.constant 64 : i32
        %mul3A_64 = arith.muli %scan3A_53, %mul3A_63 : i32
        %get3A = arith.index_cast %mul3A_64 : i32 to index
        %get3A_65 = tpu.vector_load %arg5[%get3A] {strides = array<i32>} : memref<32768xf32, #tpu.memory_space<vmem>>, vector<16xf32>,
        %add3A_66 = arith.constant 16 : i32
        %add3A_67 = arith.addi %mul3A_64, %add3A_66 : i32
        %get3A_68 = arith.index_cast %add3A_67 : i32 to index
        %get3A_69 = tpu.vector_load %arg5[%get3A_68] {strides = array<i32>} : memref<32768xf32, #tpu.memory_space<vmem>>, vector<16xf32>,
        %add3A_70 = arith.constant 32 : i32
        %add3A_71 = arith.addi %mul3A_64, %add3A_70 : i32
        %get3A_72 = arith.index_cast %add3A_71 : i32 to index
        %get3A_73 = tpu.vector_load %arg5[%get3A_72] {strides = array<i32>} : memref<32768xf32, #tpu.memory_space<vmem>>, vector<16xf32>,
        %add3A_74 = arith.constant 48 : i32
        %add3A_75 = arith.addi %mul3A_64, %add3A_74 : i32
        %get3A_76 = arith.index_cast %add3A_75 : i32 to index
        %get3A_77 = tpu.vector_load %arg5[%get3A_76] {strides = array<i32>} : memref<32768xf32, #tpu.memory_space<vmem>>, vector<16xf32>,
        %exp3A = math.exp %get3A_65 : vector<16xf32>
        %exp3A_78 = math.exp %get3A_69 : vector<16xf32>
        %exp3A_79 = math.exp %get3A_73 : vector<16xf32>
        %exp3A_80 = math.exp %get3A_77 : vector<16xf32>
        %add3A_81 = arith.addf %exp3A, %exp3A_78 : vector<16xf32>
        %add3A_82 = arith.addf %exp3A_79, %exp3A_80 : vector<16xf32>
        %add3A_83 = arith.addf %add3A_81, %add3A_82 : vector<16xf32>
        %xor3A = arith.constant 8 : i32
        %xor3A_84 = vector.broadcast %xor3A : i32 to vector<16xi32>
        %xor3A_85 = arith.xori %iota3A, %xor3A_84 : vector<16xi32>
        %broadcast_in_dim3A_86 = vector.shape_cast %xor3A_85 : vector<16xi32> to vector<16x1xi32>
        %gather3A = vector.shape_cast %broadcast_in_dim3A_86 : vector<16x1xi32> to vector<16xi32>
        %gather3A_87 = tpu.dynamic_gather %add3A_83[%gather3A] in [0] : vector<16xf32>, vector<16xi32> -> vector<16xf32>
        %add3A_88 = arith.addf %add3A_83, %gather3A_87 : vector<16xf32>
        %xor3A_89 = arith.constant 4 : i32
        %xor3A_90 = vector.broadcast %xor3A_89 : i32 to vector<16xi32>
        %xor3A_91 = arith.xori %iota3A, %xor3A_90 : vector<16xi32>
        %broadcast_in_dim3A_92 = vector.shape_cast %xor3A_91 : vector<16xi32> to vector<16x1xi32>
        %gather3A_93 = vector.shape_cast %broadcast_in_dim3A_92 : vector<16x1xi32> to vector<16xi32>
        %gather3A_94 = tpu.dynamic_gather %add3A_88[%gather3A_93] in [0] : vector<16xf32>, vector<16xi32> -> vector<16xf32>
        %add3A_95 = arith.addf %add3A_88, %gather3A_94 : vector<16xf32>
        %xor3A_96 = arith.constant 2 : i32
        %xor3A_97 = vector.broadcast %xor3A_96 : i32 to vector<16xi32>
        %xor3A_98 = arith.xori %iota3A, %xor3A_97 : vector<16xi32>
        %broadcast_in_dim3A_99 = vector.shape_cast %xor3A_98 : vector<16xi32> to vector<16x1xi32>
        %gather3A_100 = vector.shape_cast %broadcast_in_dim3A_99 : vector<16x1xi32> to vector<16xi32>
        %gather3A_101 = tpu.dynamic_gather %add3A_95[%gather3A_100] in [0] : vector<16xf32>, vector<16xi32> -> vector<16xf32>
        %add3A_102 = arith.addf %add3A_95, %gather3A_101 : vector<16xf32>
        %xor3A_103 = arith.constant 1 : i32
        %xor3A_104 = vector.broadcast %xor3A_103 : i32 to vector<16xi32>
        %xor3A_105 = arith.xori %iota3A, %xor3A_104 : vector<16xi32>
        %broadcast_in_dim3A_106 = vector.shape_cast %xor3A_105 : vector<16xi32> to vector<16x1xi32>
        %gather3A_107 = vector.shape_cast %broadcast_in_dim3A_106 : vector<16x1xi32> to vector<16xi32>
        %gather3A_108 = tpu.dynamic_gather %add3A_102[%gather3A_107] in [0] : vector<16xf32>, vector<16xi32> -> vector<16xf32>
        %add3A_109 = arith.addf %add3A_102, %gather3A_108 : vector<16xf32>
        %masked_sort3A = arith.constant dense<true> : vector<16xi1>
        %masked_sort3A_110, %masked_sort3A_111, %masked_sort3A_112 = tpu.sort %get3A_65, %get3A_65 masked %masked_sort3A {descending = true} : (vector<16xf32>, vector<16xf32>, vector<16xi1>) -> (vector<16xi1>, vector<16xf32>, vector<16xf32>)
        %masked_sort3A_113 = arith.constant dense<true> : vector<16xi1>
        %masked_sort3A_114, %masked_sort3A_115, %masked_sort3A_116 = tpu.sort %get3A_69, %get3A_69 masked %masked_sort3A_113 {descending = true} : (vector<16xf32>, vector<16xf32>, vector<16xi1>) -> (vector<16xi1>, vector<16xf32>, vector<16xf32>)
        %masked_sort3A_117 = arith.constant dense<true> : vector<16xi1>
        %masked_sort3A_118, %masked_sort3A_119, %masked_sort3A_120 = tpu.sort %get3A_73, %get3A_73 masked %masked_sort3A_117 {descending = true} : (vector<16xf32>, vector<16xf32>, vector<16xi1>) -> (vector<16xi1>, vector<16xf32>, vector<16xf32>)
        %masked_sort3A_121 = arith.constant dense<true> : vector<16xi1>
        %masked_sort3A_122, %masked_sort3A_123, %masked_sort3A_124 = tpu.sort %get3A_77, %get3A_77 masked %masked_sort3A_121 {descending = true} : (vector<16xf32>, vector<16xf32>, vector<16xi1>) -> (vector<16xi1>, vector<16xf32>, vector<16xf32>)
        %broadcast_in_dim3A_125 = vector.shape_cast %and3A_4 : vector<16xi32> to vector<16x1xi32>
        %gather3A_126 = vector.shape_cast %broadcast_in_dim3A_125 : vector<16x1xi32> to vector<16xi32>
        %gather3A_127 = tpu.dynamic_gather %masked_sort3A_116[%gather3A_126] in [0] : vector<16xf32>, vector<16xi32> -> vector<16xf32>
        %select_n3A = arith.select %lt3A_6, %masked_sort3A_112, %gather3A_127 : vector<16xi1>, vector<16xf32>
        %masked_sort3A_128 = arith.constant dense<true> : vector<16xi1>
        %masked_sort3A_129, %masked_sort3A_130, %masked_sort3A_131 = tpu.sort %select_n3A, %select_n3A masked %masked_sort3A_128 {descending = true} : (vector<16xf32>, vector<16xf32>, vector<16xi1>) -> (vector<16xi1>, vector<16xf32>, vector<16xf32>)
        %broadcast_in_dim3A_132 = vector.shape_cast %and3A_4 : vector<16xi32> to vector<16x1xi32>
        %gather3A_133 = vector.shape_cast %broadcast_in_dim3A_132 : vector<16x1xi32> to vector<16xi32>
        %gather3A_134 = tpu.dynamic_gather %masked_sort3A_124[%gather3A_133] in [0] : vector<16xf32>, vector<16xi32> -> vector<16xf32>
        %select_n3A_135 = arith.select %lt3A_6, %masked_sort3A_120, %gather3A_134 : vector<16xi1>, vector<16xf32>
        %masked_sort3A_136 = arith.constant dense<true> : vector<16xi1>
        %masked_sort3A_137, %masked_sort3A_138, %masked_sort3A_139 = tpu.sort %select_n3A_135, %select_n3A_135 masked %masked_sort3A_136 {descending = true} : (vector<16xf32>, vector<16xf32>, vector<16xi1>) -> (vector<16xi1>, vector<16xf32>, vector<16xf32>)
        %broadcast_in_dim3A_140 = vector.shape_cast %and3A_4 : vector<16xi32> to vector<16x1xi32>
        %gather3A_141 = vector.shape_cast %broadcast_in_dim3A_140 : vector<16x1xi32> to vector<16xi32>
        %gather3A_142 = tpu.dynamic_gather %masked_sort3A_139[%gather3A_141] in [0] : vector<16xf32>, vector<16xi32> -> vector<16xf32>
        %select_n3A_143 = arith.select %lt3A_6, %masked_sort3A_131, %gather3A_142 : vector<16xi1>, vector<16xf32>
        %masked_sort3A_144 = arith.constant dense<true> : vector<16xi1>
        %masked_sort3A_145, %masked_sort3A_146, %masked_sort3A_147 = tpu.sort %select_n3A_143, %select_n3A_143 masked %masked_sort3A_144 {descending = true} : (vector<16xf32>, vector<16xf32>, vector<16xi1>) -> (vector<16xi1>, vector<16xf32>, vector<16xf32>)
        %broadcast_in_dim3A_148 = vector.shape_cast %broadcast_in_dim3A_7 : vector<16xi32> to vector<16x1xi32>
        %gather3A_149 = vector.shape_cast %broadcast_in_dim3A_148 : vector<16x1xi32> to vector<16xi32>
        %gather3A_150 = tpu.dynamic_gather %masked_sort3A_147[%gather3A_149] in [0] : vector<16xf32>, vector<16xi32> -> vector<16xf32>
        %rem3A = arith.constant 16384 : i32
        %rem3A_151 = arith.remsi %scan3A_62, %rem3A : i32
        %rem3A_152 = arith.constant 16 : i32
        %rem3A_153 = arith.remsi %scan3A_62, %rem3A_152 : i32
        %sub3A = arith.subi %rem3A_151, %rem3A_153 : i32
        %get3A_154 = arith.index_cast %sub3A : i32 to index
        %get3A_155 = tpu.vector_load %arg6[%get3A_154] {strides = array<i32>} : memref<16384xf32, #tpu.memory_space<vmem>>, vector<16xf32>,
        %broadcast_in_dim3A_156 = vector.broadcast %rem3A_153 : i32 to vector<16xi32>
        %broadcast_in_dim3A_157 = vector.shape_cast %broadcast_in_dim3A_156 : vector<16xi32> to vector<16x1xi32>
        %gather3A_158 = vector.shape_cast %broadcast_in_dim3A_157 : vector<16x1xi32> to vector<16xi32>
        %gather3A_159 = tpu.dynamic_gather %get3A_155[%gather3A_158] in [0] : vector<16xf32>, vector<16xi32> -> vector<16xf32>
        %div3A = arith.divf %gather3A_159, %add3A_109 : vector<16xf32>
        %broadcast_in_dim3A_160 = arith.constant 0.000000e+00 : f32
        %broadcast_in_dim3A_161 = vector.broadcast %broadcast_in_dim3A_160 : f32 to vector<16xf32>
        %ge3A = arith.cmpf oge, %get3A_65, %gather3A_150 : vector<16xf32>
        %select_n3A_162 = arith.select %ge3A, %gather3A_159, %broadcast_in_dim3A_161 : vector<16xi1>, vector<16xf32>
        %add3A_163 = arith.addf %scan3A_54, %select_n3A_162 : vector<16xf32>
        %ge3A_164 = arith.cmpf oge, %get3A_69, %gather3A_150 : vector<16xf32>
        %select_n3A_165 = arith.select %ge3A_164, %gather3A_159, %broadcast_in_dim3A_161 : vector<16xi1>, vector<16xf32>
        %add3A_166 = arith.addf %scan3A_55, %select_n3A_165 : vector<16xf32>
        %ge3A_167 = arith.cmpf oge, %get3A_73, %gather3A_150 : vector<16xf32>
        %select_n3A_168 = arith.select %ge3A_167, %gather3A_159, %broadcast_in_dim3A_161 : vector<16xi1>, vector<16xf32>
        %add3A_169 = arith.addf %scan3A_56, %select_n3A_168 : vector<16xf32>
        %ge3A_170 = arith.cmpf oge, %get3A_77, %gather3A_150 : vector<16xf32>
        %select_n3A_171 = arith.select %ge3A_170, %gather3A_159, %broadcast_in_dim3A_161 : vector<16xi1>, vector<16xf32>
        %add3A_172 = arith.addf %scan3A_57, %select_n3A_171 : vector<16xf32>
        %mul3A_173 = arith.mulf %exp3A, %div3A : vector<16xf32>
        %add3A_174 = arith.addf %scan3A_58, %mul3A_173 : vector<16xf32>
        %mul3A_175 = arith.mulf %exp3A_78, %div3A : vector<16xf32>
        %add3A_176 = arith.addf %scan3A_59, %mul3A_175 : vector<16xf32>
        %mul3A_177 = arith.mulf %exp3A_79, %div3A : vector<16xf32>
        %add3A_178 = arith.addf %scan3A_60, %mul3A_177 : vector<16xf32>
        %mul3A_179 = arith.mulf %exp3A_80, %div3A : vector<16xf32>
        %add3A_180 = arith.addf %scan3A_61, %mul3A_179 : vector<16xf32>
        %add3A_181 = arith.constant 1 : i32
        %add3A_182 = arith.addi %scan3A_62, %add3A_181 : i32
        scf.yield %add3A_163, %add3A_166, %add3A_169, %add3A_172, %add3A_174, %add3A_176, %add3A_178, %add3A_180, %add3A_182 : vector<16xf32>, vector<16xf32>, vector<16xf32>, vector<16xf32>, vector<16xf32>, vector<16xf32>, vector<16xf32>, vector<16xf32>, i32
      }
      %scan3A_52 = arith.constant 512 : i32
      scf.yield %scan3A_51#0, %scan3A_51#1, %scan3A_51#2, %scan3A_51#3, %scan3A_51#4, %scan3A_51#5, %scan3A_51#6, %scan3A_51#7, %scan3A_51#8 : vector<16xf32>, vector<16xf32>, vector<16xf32>, vector<16xf32>, vector<16xf32>, vector<16xf32>, vector<16xf32>, vector<16xf32>, i32
    }
    %scan3A_14 = arith.constant 24 : i32
    %swap3A = arith.constant 0 : index
    %swap3A_15 = tpu.vector_load %arg7[%swap3A] {strides = array<i32>} : memref<128xf32, #tpu.memory_space<vmem>>, vector<16xf32>,
    tpu.vector_store %arg7[%swap3A], %scan3A_13#0 {strides = array<i32>} : memref<128xf32, #tpu.memory_space<vmem>>, vector<16xf32>,
    %swap3A_16 = arith.constant 64 : index
    %swap3A_17 = tpu.vector_load %arg7[%swap3A_16] {strides = array<i32>} : memref<128xf32, #tpu.memory_space<vmem>>, vector<16xf32>,
    tpu.vector_store %arg7[%swap3A_16], %scan3A_13#4 {strides = array<i32>} : memref<128xf32, #tpu.memory_space<vmem>>, vector<16xf32>,
    %swap3A_18 = arith.constant 16 : index
    %swap3A_19 = tpu.vector_load %arg7[%swap3A_18] {strides = array<i32>} : memref<128xf32, #tpu.memory_space<vmem>>, vector<16xf32>,
    tpu.vector_store %arg7[%swap3A_18], %scan3A_13#1 {strides = array<i32>} : memref<128xf32, #tpu.memory_space<vmem>>, vector<16xf32>,
    %swap3A_20 = arith.constant 80 : index
    %swap3A_21 = tpu.vector_load %arg7[%swap3A_20] {strides = array<i32>} : memref<128xf32, #tpu.memory_space<vmem>>, vector<16xf32>,
    tpu.vector_store %arg7[%swap3A_20], %scan3A_13#5 {strides = array<i32>} : memref<128xf32, #tpu.memory_space<vmem>>, vector<16xf32>,
    %swap3A_22 = arith.constant 32 : index
    %swap3A_23 = tpu.vector_load %arg7[%swap3A_22] {strides = array<i32>} : memref<128xf32, #tpu.memory_space<vmem>>, vector<16xf32>,
    tpu.vector_store %arg7[%swap3A_22], %scan3A_13#2 {strides = array<i32>} : memref<128xf32, #tpu.memory_space<vmem>>, vector<16xf32>,
    %swap3A_24 = arith.constant 96 : index
    %swap3A_25 = tpu.vector_load %arg7[%swap3A_24] {strides = array<i32>} : memref<128xf32, #tpu.memory_space<vmem>>, vector<16xf32>,
    tpu.vector_store %arg7[%swap3A_24], %scan3A_13#6 {strides = array<i32>} : memref<128xf32, #tpu.memory_space<vmem>>, vector<16xf32>,
    %swap3A_26 = arith.constant 48 : index
    %swap3A_27 = tpu.vector_load %arg7[%swap3A_26] {strides = array<i32>} : memref<128xf32, #tpu.memory_space<vmem>>, vector<16xf32>,
    tpu.vector_store %arg7[%swap3A_26], %scan3A_13#3 {strides = array<i32>} : memref<128xf32, #tpu.memory_space<vmem>>, vector<16xf32>,
    %swap3A_28 = arith.constant 112 : index
    %swap3A_29 = tpu.vector_load %arg7[%swap3A_28] {strides = array<i32>} : memref<128xf32, #tpu.memory_space<vmem>>, vector<16xf32>,
    tpu.vector_store %arg7[%swap3A_28], %scan3A_13#7 {strides = array<i32>} : memref<128xf32, #tpu.memory_space<vmem>>, vector<16xf32>,
    %mul3A_30 = arith.constant 128 : i32
    %mul3A_31 = arith.muli %add3A, %mul3A_30 : i32
    "tpu.region"() ({
      %run_scoped3A = tpu.sem_alloc : memref<!tpu.dma_semaphore, #tpu.memory_space<semaphore_mem>>
      %dma_start3A = tpu.memref_slice %arg4[%mul3A_31] : memref<4096xf32, #tpu.memory_space<hbm>> -> memref<128xf32, #tpu.memory_space<hbm>>
      %dma_start3A_32 = tpu.memref_slice %arg4[%mul3A_31] : memref<4096xf32, #tpu.memory_space<hbm>> -> memref<128xf32, #tpu.memory_space<hbm>>
      tpu.enqueue_dma source(%arg7 : memref<128xf32, #tpu.memory_space<vmem>>) target(%dma_start3A_32 : memref<128xf32, #tpu.memory_space<hbm>>) target_semaphore(%run_scoped3A : memref<!tpu.dma_semaphore, #tpu.memory_space<semaphore_mem>>)
      %dma_wait3A = tpu.memref_slice %arg4[%mul3A_31] : memref<4096xf32, #tpu.memory_space<hbm>> -> memref<128xf32, #tpu.memory_space<hbm>>
      %dma_wait3A_33 = tpu.memref_slice %arg4[%mul3A_31] : memref<4096xf32, #tpu.memory_space<hbm>> -> memref<128xf32, #tpu.memory_space<hbm>>
      tpu.wait_dma2 semaphore(%run_scoped3A : memref<!tpu.dma_semaphore, #tpu.memory_space<semaphore_mem>>) src(%arg7 : memref<128xf32, #tpu.memory_space<vmem>>) dst(%dma_wait3A_33 : memref<128xf32, #tpu.memory_space<hbm>>)
      tpu.yield
    }) : () -> ()
    return
  }
}

</mosaic_0001>

<sc_bundles>
// kernel: kernel.3.cloned.1.call-start
scs
__scs_entry_jumppad:
0x0: {  	(pc) =	sbr.rel $0x88, $3  }
0x1: {  	(tag) =	ssettag $0x0;
	lr =	simm.s32 $0x1  }
0x2: {  	[smem:$0x3F9F] =	sst lr;
	_ =	strace $0xD0000000  }
0x3: {  	_ = 	snop  }
0x4: {  	_ = 	snop  }
0x5: {  	_ = 	snop  }
0x6: {  	_ = 	snop  }
0x7: {  	_ = 	snop  }
__scs_overlays_trampoline_lowered:
0x8: {  	[smem:$0x3FAE] =	sst s0  }
0x9: {  	[smem:$0x3FAF] =	sst s1  }
0xa: {  	[smem:$0x3FB0] =	sst s2  }
0xb: {  	[smem:$0x3FB1] =	sst s3  }
0xc: {  	[smem:$0x3FB2] =	sst s4  }
0xd: {  	[smem:$0x3FB3] =	sst s5  }
0xe: {  	[smem:$0x3FB4] =	sst s6  }
0xf: {  	[smem:$0x3FB5] =	sst s7  }
0x10: {  	[smem:$0x3FB6] =	sst s8  }
0x11: {  	[smem:$0x3FB7] =	sst s9;
	s0 =	simm.s32 @!p0 $0x0  }
0x12: {  	s1 =	sld [smem:$0x3F9D];
	s0 =	simm.s32 @p0 $0x1  }
0x13: {  	[smem:$0x3FB8] =	sst s0;
	s0 =	simm.s32 @!p1 $0x0  }
0x14: {  	s2 =	sld [smem:$0x3F9C];
	s0 =	simm.s32 @p1 $0x1  }
0x15: {  	[smem:$0x3FB9] =	sst s0;
	s0 =	simm.s32 @!p2 $0x0  }
0x16: {  	s3 =	sld [smem:$0x3FDB];
	s0 =	simm.s32 @p2 $0x1  }
0x17: {  	s4 =	simm.s32 $0x1BF5;
	[smem:$0x3FBB] =	sst s0  }
0x18: {  	s0 =	sld [smem:$0x3F9E];
	_ =	swait.ge [sflag:s4], $0x0  }
0x19: {  	s7 =	sld [smem:$0x3F9F]  }
0x1a: {  	s8 =	sadd.s32 $0xFFFFE003, lr  }
0x1b: {  	s9 =	sadd.s32 $0xFFFFFEF7, lr;
	s5 =	simm.s32 $0xFFFFFFFF;
	p2 =	slt.u32 s8, $0xFFFFF086  }
0x1c: {  	p1 =	slt.u32 s9, $0xF7A;
	s5 =	simm.s32 @!p2 $0x0  }
0x1d: {  	s5 =	simm.s32 @p1 $0x1;
	p0 =	seq.s32 s7, s2  }
0x1e: {  	s7 =	smul.u32 @!p0 $0xF7A, s2;
	p2 =	seq.s32 @!p0 s5, $0x0  }
0x1f: {  	s9 =	smul.u32 $0xF7A, s1;
	s8 =	simm.s32 @!p0 $0x1BF5;
	p2 =	por !p2, p0  }
0x20: {  	[sflag:s8] =	ssyncset.s32 @!p0 $0xFFFFF086;
	s6 =	sadd.s32 @!p0 s3, s7;
	s7 =	simm.s32 @!p0 $0x108  }
0x21: {  	s3 =	sadd.s32 s3, s9;
	s6 =	sadd.s32 @!p0 $0x88, s6;
	s7 =	simm.s32 @p2 $0x1082  }
0x22: {  	[simem:s7], [sflag:s8] =	dma.local @!p0 [hbm:s6], $0xF7A  }
0x23: {  	s9 =	sor.u32 $0xD0000000, s2;
	s6 =	simm.s32 $0x108;
	_ =	swait.ge @!p0 [sflag:s8], $0x0  }
0x24: {  	s3 =	sadd.s32 $0x88, s3;
	s6 =	simm.s32 @!p1 $0x1082;
	[sflag:s4] =	ssyncset.s32 $0xFFFFF086  }
0x25: {  	[simem:s6], [sflag:s4] =	dma.local [hbm:s3], $0xF7A  }
0x26: {  	[smem:$0x3F9F] =	sst s1;
	(tag) =	ssettag s2;
	_ =	strace s9  }
0x27: {  	s1 =	sld [smem:$0x3FAF]  }
0x28: {  	s2 =	sld [smem:$0x3FB0]  }
0x29: {  	s4 =	sld [smem:$0x3FB2]  }
0x2a: {  	p0 =	seq.s32 s5, $0x0;
	s5 =	sld [smem:$0x3FB3]  }
0x2b: {  	s6 =	sld [smem:$0x3FB4]  }
0x2c: {  	s7 =	sld [smem:$0x3FB5]  }
0x2d: {  	s3 =	simm.s32 $0x108;
	s8 =	sld [smem:$0x3FB6]  }
0x2e: {  	s3 =	simm.s32 @!p0 $0x1082;
	s9 =	sld [smem:$0x3FB7]  }
0x2f: {  	lr =	sadd.s32 s0, s3;
	s0 =	sld [smem:$0x3FAE]  }
0x30: {  	s3 =	sld [smem:$0x3FB1]  }
0x31: {  	[smem:$0x3FBA] =	sst s10  }
0x32: {  	s10 =	sld [smem:$0x3FB8];
	_ =	sdelay $0x3  }
0x33: {  	p0 =	seq.s32 s10, $0x1;
	s10 =	sld [smem:$0x3FBA];
	_ =	sdelay $0x3  }
0x34: {  	[smem:$0x3FBA] =	sst s10  }
0x35: {  	s10 =	sld [smem:$0x3FB9];
	_ =	sdelay $0x3  }
0x36: {  	p1 =	seq.s32 s10, $0x1;
	s10 =	sld [smem:$0x3FBA];
	_ =	sdelay $0x3  }
0x37: {  	[smem:$0x3FBA] =	sst s10  }
0x38: {  	s10 =	sld [smem:$0x3FBB]  }
0x39: {  	_ = 	snop;
	(pc) =	sbr.ind lr, $3  }
0x3a: {  	_ = 	snop  }
0x3b: {  	_ = 	snop  }
0x3c: {  	p2 =	seq.s32 s10, $0x1;
	s10 =	sld [smem:$0x3FBA]  }
0x3d: {  	_ =	shalt  }
0x3e: {  	_ =	shalt  }
0x3f: {  	_ =	shalt  }
0x40: {  	_ =	shalt  }
0x41: {  	_ =	shalt  }
0x42: {  	_ =	shalt  }
0x43: {  	_ =	shalt  }
0x44: {  	_ =	shalt  }
0x45: {  	_ =	shalt  }
0x46: {  	_ =	shalt  }
0x47: {  	_ =	shalt  }
0x48: {  	_ =	shalt  }
0x49: {  	_ =	shalt  }
0x4a: {  	_ =	shalt  }
0x4b: {  	_ =	shalt  }
0x4c: {  	_ =	shalt  }
0x4d: {  	_ =	shalt  }
0x4e: {  	_ =	shalt  }
0x4f: {  	_ =	shalt  }
0x50: {  	_ =	shalt  }
0x51: {  	_ =	shalt  }
0x52: {  	_ =	shalt  }
0x53: {  	_ =	shalt  }
0x54: {  	_ =	shalt  }
0x55: {  	_ =	shalt  }
0x56: {  	_ =	shalt  }
0x57: {  	_ =	shalt  }
0x58: {  	_ =	shalt  }
0x59: {  	_ =	shalt  }
0x5a: {  	_ =	shalt  }
0x5b: {  	_ =	shalt  }
0x5c: {  	_ =	shalt  }
0x5d: {  	_ =	shalt  }
0x5e: {  	_ =	shalt  }
0x5f: {  	_ =	shalt  }
0x60: {  	_ =	shalt  }
0x61: {  	_ =	shalt  }
0x62: {  	_ =	shalt  }
0x63: {  	_ =	shalt  }
0x64: {  	_ =	shalt  }
0x65: {  	_ =	shalt  }
0x66: {  	_ =	shalt  }
0x67: {  	_ =	shalt  }
0x68: {  	_ =	shalt  }
0x69: {  	_ =	shalt  }
0x6a: {  	_ =	shalt  }
0x6b: {  	_ =	shalt  }
0x6c: {  	_ =	shalt  }
0x6d: {  	_ =	shalt  }
0x6e: {  	_ =	shalt  }
0x6f: {  	_ =	shalt  }
0x70: {  	_ =	shalt  }
0x71: {  	_ =	shalt  }
0x72: {  	_ =	shalt  }
0x73: {  	_ =	shalt  }
0x74: {  	_ =	shalt  }
0x75: {  	_ =	shalt  }
0x76: {  	_ =	shalt  }
0x77: {  	_ =	shalt  }
0x78: {  	_ =	shalt  }
0x79: {  	_ =	shalt  }
0x7a: {  	_ =	shalt  }
0x7b: {  	_ =	shalt  }
0x7c: {  	_ =	shalt  }
0x7d: {  	_ =	shalt  }
0x7e: {  	_ =	shalt  }
0x7f: {  	_ =	shalt  }
0x80: {  	_ =	shalt  }
0x81: {  	_ =	shalt  }
0x82: {  	_ =	shalt  }
0x83: {  	_ =	shalt  }
0x84: {  	_ =	shalt  }
0x85: {  	_ =	shalt  }
0x86: {  	_ =	shalt  }
0x87: {  	_ =	shalt  }
.Lfunc_end0:
.L_simem_size_0:
called_computation_lowered:
.L_overlay_start_0:
0x88: {  	s2 =	sld [smem:$0x3FD9]  }
0x89: {  	s3 =	sld [smem:$0x3FFE];
	_ =	sdelay $0x1  }
0x8a: {  	s1 =	srdreg.scid  }
0x8b: {  	s0 =	sand.u32 $0x1, s1  }
0x8c: {  	s16 =	sshll.u32 s0, $0xA;
	s2 =	sadd.s32 s3, s2  }
0x8d: {  	s2 =	sadd.s32 s2, s16  }
0x8e: {  	[smem:$0x3FC6] =	sst s2  }
0x8f: {  	_ = 	snop  }
0x90: {  	(tm) =	ssettm $0x1  }
0x91: {  	s17 =	sld [smem:$0x3FFB];
	_ =	sdelay $0x3  }
0x92: {  	_ =	strace s17  }
0x93: {  	s2 =	sld [smem:$0x3FFC];
	_ =	sdelay $0x3  }
0x94: {  	_ =	strace s2  }
0x95: {  	s2 =	sld [smem:$0x3FFD];
	_ =	sdelay $0x3  }
0x96: {  	_ =	strace s2  }
0x97: {  	_ =	strace $0x8FFFFFFF  }
0x98: {  	s18 =	sld [smem:$0x3FDB];
	_ =	sdelay $0x1  }
0x99: {  	s19 =	simm.s32 $_scs_section_size  }
0x9a: {  	s4 =	simm.s32 $_size__tile_overlayer_lowered;
	s5 =	simm.s32 $_tile_overlayer_lowered  }
0x9b: {  	s22 =	simm.s32 $0x1BFF;
	s21 =	sshll.u32 s5, $0x1;
	s2 =	sadd.s32 s19, s18  }
0x9c: {  	s6 =	simm.s32 $0x0;
	s20 =	sshll.u32 s4, $0x1;
	s4 =	sadd.s32 s21, s2  }
0x9d: {  	[timem:s6], [sflag:s22] =	dma.local [hbm:s4], s20  }
0x9e: {  	_ =	swait.ge [sflag:s22], s20  }
0x9f: {  	s3 =	ssub.s32 $0x0, s20;
	[sflag:s22] =	ssyncset.done $0x0  }
0xa0: {  	[sflag:s22] =	ssyncadd.s32 s3;
	_ =	sdelay $0x1  }
0xa1: {  	s23 =	simm.s32 $0x1B8B  }
0xa2: {  	_ =	swait.ge [sflag:s23], $0x1  }
0xa3: {  	[sflag:s23] =	ssyncset.done $0x0  }
0xa4: {  	s25 =	simm.s32 $0x1B8E;
	s24 =	sld [smem:$0x3FFE];
	[sflag:s23] =	ssyncadd.s32 $0xFFFFFFFF  }
0xa5: {  	s26 =	simm.s32 $execute0_lowered;
	[smem:$0x3FD2] =	sst s25  }
0xa6: {  	s4 =	sshll.u32 s26, $0x1;
	_ =	strace $0x80000046;
	[dreg:$0x1] =	wrdreg $0xFFFFFFFF  }
0xa7: {  	s28 =	simm.s32 $_size_execute0_lowered;
	s2 =	sadd.s32 s2, s4;
	[dreg:$0x0] =	wrdreg $0x0  }
0xa8: {  	s4 =	sshll.u32 s28, $0x1;
	[dreg:$0x2] =	wrdreg s2  }
0xa9: {  	[dreg:$0x3] =	wrdreg s4  }
0xaa: {  	[dreg:$0x4] =	wrdreg $0xC0  }
0xab: {  	_ =	task [dreg:s6], $0x5FFFF  }
0xac: {  	[dreg:$0x1] =	wrdreg $0xFFFFFFFF  }
0xad: {  	[dreg:$0x0] =	wrdreg $0x60  }
0xae: {  	[dreg:$0x2] =	wrdreg s24  }
0xaf: {  	[dreg:$0x3] =	wrdreg $0x9  }
0xb0: {  	_ =	task.clear_ibuf [dreg:s6], $0x4FFFF;
	_ =	strace $0x90000046  }
0xb1: {  	s29 =	simm.s32 $0x9;
	_ =	strace $0x80000048  }
0xb2: {  	_ =	swait.ge [sflag:s29], $0x1  }
0xb3: {  	[sflag:s29] =	ssyncadd.s32 $0xFFFFFFFF  }
0xb4: {  	_ =	strace $0x90000048  }
0xb5: {  	_ =	sfence  }
0xb6: {  	s30 =	sld [smem:$0x0];
	_ =	sdelay $0x2  }
0xb7: {  	s31 =	sshll.u32 s1, $0xD;
	s1 =	sshrl.u32 s1, $0x2  }
0xb8: {  	s3 =	sand.u32 $0x4000, s31;
	s1 =	sadd.s32 s1, s30  }
0xb9: {  	s0 =	sor.u32 s3, s0;
	s1 =	sshll.u32 s1, $0x11  }
0xba: {  	s0 =	sor.u32 s1, s0  }
0xbb: {  	s0 =	sadd.s32 $0x8F2B, s0  }
0xbc: {  	[sflag:s0] =	ssyncadd.remote.s32 $0x1  }
0xbd: {  	_ =	sfence.sel $0xFFFF  }
0xbe: {  	[dreg:$0x0] =	wrdreg $0xFFFFFFFF;
	(pc) =	sbr.abs _section_cstart, $3  }
0xbf: {  	[dreg:$0x1] =	wrdreg $0xFFFFFFFF  }
0xc0: {  	_ =	task.clear_ibuf [dreg:s6], $0x2FFFF;
	_ =	strace $0x9FFFFFFF  }
0xc1: {  	(tm) =	ssettm $0x7FFFFFFF  }
tec
execute0_lowered:
.L_overlay_start_1:
0x0: {  	(tag) =	ssettag $0x1  }
0x1: {  	v0 =	vimm.s32 $0xFEDCBA98;
	v1 =	vimm.s32 $0x76543210;
	v2 =	vimm.s32 $0xBA98FEDC  }
0x2: {  	v3 =	vimm.s32 $0x32107654;
	v4 =	vimm.s32 $0xDCFE98BA;
	v5 =	vimm.s32 $0x54761032  }
0x3: {  	s1 =	rddreg [dreg:$0x0];
	v6 =	vimm.s32 $0xEFCDAB89;
	v7 =	vimm.s32 $0x67452301;
	vm0 =	vmmov $0xff  }
0x4: {  	s0 =	rddreg [dreg:$0x1];
	s2 =	simm.s32 $0x0;
	v0 =	vunpack.c.l.s4.s8 v0;
	v1 =	vunpack.c.l.s4.s8 v1;
	v2 =	vunpack.c.l.s4.s8 v2  }
0x5: {  	s4 =	srdreg.scid;
	s3 =	stileid.u32;
	s10 =	simm.s32 $0x1;
	v3 =	vunpack.c.l.s4.s8 v3;
	v4 =	vunpack.c.l.s4.s8 v4;
	v5 =	vunpack.c.l.s4.s8 v5  }
0x6: {  	s11 =	simm.s32 $0xC000;
	s12 =	simm.s32 $0x0;
	[smem:$0x7FF] =	sst s2;
	v6 =	vunpack.c.l.s4.s8 v6;
	v7 =	vunpack.c.l.s4.s8 v7;
	v0 =	vunpack.c.0.s8.s32 v0  }
0x7: {  	s5 =	sand.u32 $0x1, s4;
	s6 =	sshll.u32 s3, $0x1;
	s4 =	sadd.s32 $0x600000, s1;
	v1 =	vunpack.c.0.s8.s32 v1;
	v2 =	vunpack.c.0.s8.s32 v2;
	v3 =	vunpack.c.0.s8.s32 v3  }
0x8: {  	_ =	strace $0x80000047;
	s6 =	sor.u32 s5, s6;
	s7 =	ssub.s32 $0x2, s5;
	v4 =	vunpack.c.0.s8.s32 v4;
	v5 =	vunpack.c.0.s8.s32 v5;
	v0 =	vand.u32 $0xF, v0  }
0x9: {  	s8 =	sshll.u32 s6, $0x4;
	s9 =	sshrl.u32 s7, $0x1;
	s5 =	smul.u32 $0x3000, s6;
	v6 =	vunpack.c.0.s8.s32 v6;
	v7 =	vunpack.c.0.s8.s32 v7;
	v0 =	vcombine.low v0, v1  }
0xa: {  	s6 =	smul.u32 $0xC0000, s6;
	s8 =	sadd.s32 s8, s1;
	s9 =	ssub.s32 s7, s9;
	v1 =	vcombine.low v3, v2;
	v2 =	vcombine.low v5, v4;
	v4 =	vlaneseq.u32  }
0xb: {  	s7 =	sadd.s32 $0x800, s8;
	s8 =	smax.u32 s9, $0x1;
	s9 =	simm.s32 $0x8000;
	v3 =	vcombine.low v7, v6;
	v5 =	vimm.s32 $0x7;
	v4 =	vand.u32 $0x7, v4  }
.LBB2_1:
0xc: {  	[tilespmem:s9], [sflag:$0x1] =	stream.linear.gather [hbm4b:s1+s2], $0x4000, $0x38;
	[tilespmem:$0xC080] =	vst v63  }
0xd: {  	v6 =	vimm.f32 $0.0e+00;
	v30 =	vimm.f32 $0.0e+00;
	_ =	swait.ge [sflag:s10], $0x4000  }
0xe: {  	v29 =	vimm.f32 $0.0e+00;
	v33 =	vimm.f32 $0.0e+00;
	v25 =	vimm.f32 $0.0e+00;
	[sflag:s10] =	ssyncset.done $0x0  }
0xf: {  	s13 =	smov.u32 s5;
	v28 =	vimm.f32 $0.0e+00;
	v32 =	vimm.f32 $0.0e+00;
	v31 =	vimm.f32 $0.0e+00;
	s14 =	simm.s32 $0x0;
	[sflag:s10] =	ssyncadd.s32 $0xFFFFC000  }
.LBB2_2:
0x10: {  	s15 =	sshll.u32 s14, $0xF  }
0x11: {  	s15 =	sadd.s32 s6, s15  }
0x12: {  	s15 =	sshrl.u32 s15, $0x3  }
0x13: {  	s16 =	simm.s32 $0x0;
	s15 =	sadd.s32 s4, s15  }
0x14: {  	[tilespmem:s16], [sflag:$0x1] =	stream.linear.gather [hbm4b:s15+s16], $0x8000, $0x38;
	[tilespmem:$0xC080] =	vst v63  }
0x15: {  	_ =	swait.ge [sflag:s10], $0x8000  }
0x16: {  	[sflag:s10] =	ssyncset.done $0x0  }
0x17: {  	s22 =	simm.s32 $0x20;
	[sflag:s10] =	ssyncadd.s32 $0xFFFF8000  }
0x18: {  	v35 =	vld [tilespmem:s22+$0xFFFFFFF0]  }
0x19: {  	v18 =	vld [tilespmem:s22+$0x10];
	_ =	sdelay $0x1  }
0x1a: {  	v34 =	vld [tilespmem:s22+$0x0];
	_ =	sdelay $0x1  }
0x1b: {  	v36 =	vld [tilespmem:s22+$0xFFFFFFE0];
	(xrf1) =	vsort.dscd.msk.f32 $0xffff, v35, v35  }
0x1c: {  	(xrf1) =	vsort.dscd.msk.f32 $0xffff, v18, v18;
	_ =	sdelay $0x1  }
0x1d: {  	(xrf1) =	vsort.dscd.msk.f32 $0xffff, v34, v34;
	_ =	sdelay $0x1  }
0x1e: {  	(xrf1) =	vsort.dscd.msk.f32 $0xffff, v36, v36;
	_ =	sdelay $0x6  }
0x1f: {  	s23 =	simm.s32 $0x60;
	v8 =	vmul.f32 $1.442695020e+00, v35  }
0x20: {  	v9 =	vld [tilespmem:s23+$0xFFFFFFF0];
	v14 =	vmul.f32 $1.442695020e+00, v36  }
0x21: {  	(erf) = vpow2.f32 v8;
	v8 =	vmul.f32 $1.442695020e+00, v34;
	_, v7, _ =	vpop (xrf1)  }
0x22: {  	v13 =	vld [tilespmem:s23+$0x10];
	v10 =	vmul.f32 $1.442695020e+00, v18;
	(erf) = vpow2.f32 v14;
	_, v11, _ =	vpop (xrf1)  }
0x23: {  	(erf) = vpow2.f32 v8;
	v11 =	vperm.xlane v11, v4  }
0x24: {  	v12 =	vld [tilespmem:s23+$0x0];
	(erf) = vpow2.f32 v10;
	_, v15, _ =	vpop (xrf1)  }
0x25: {  	(xrf1) =	vsort.dscd.msk.f32 $0xffff, v9, v9;
	v7 =	vperm.xlane v7, v4;
	v11 =	vsel vm0, v15, v11  }
0x26: {  	_, v8, _ =	vpop (xrf1);
	(xrf1) =	vsort.dscd.msk.f32 $0xffff, v11, v11  }
0x27: {  	v21 =	vld [tilespmem:s23+$0xFFFFFFE0];
	v7 =	vsel vm0, v8, v7;
	(xrf1) =	vsort.dscd.msk.f32 $0xffff, v13, v13  }
0x28: {  	(xrf1) =	vsort.dscd.msk.f32 $0xffff, v7, v7  }
0x29: {  	(xrf1) =	vsort.dscd.msk.f32 $0xffff, v12, v12  }
0x2a: {  	v40 =	vpop (erf)  }
0x2b: {  	v41 =	vpop (erf)  }
0x2c: {  	v39 =	vpop (erf);
	(xrf1) =	vsort.dscd.msk.f32 $0xffff, v21, v21  }
0x2d: {  	v38 =	vpop (erf);
	v7 =	vmul.f32 $1.442695020e+00, v9  }
0x2e: {  	v10 =	vmul.f32 $1.442695020e+00, v21;
	v14 =	vadd.f32 v38, v39;
	v8 =	vadd.f32 v40, v41  }
0x2f: {  	v11 =	vmul.f32 $1.442695020e+00, v12;
	(erf) = vpow2.f32 v7  }
0x30: {  	v15 =	vmul.f32 $1.442695020e+00, v13;
	v8 =	vadd.f32 v14, v8;
	(erf) = vpow2.f32 v10  }
0x31: {  	(erf) = vpow2.f32 v11  }
0x32: {  	(erf) = vpow2.f32 v15;
	v15 =	vperm.xlane v8, v0  }
0x33: {  	s24 =	simm.s32 $0xA0;
	_, v10, _ =	vpop (xrf1)  }
0x34: {  	v7 =	vld [tilespmem:s24+$0xFFFFFFF0];
	_, v14, _ =	vpop (xrf1)  }
0x35: {  	_, v16, _ =	vpop (xrf1)  }
0x36: {  	v16 =	vperm.xlane v16, v4;
	_, v17, _ =	vpop (xrf1)  }
0x37: {  	v19 =	vadd.f32 v8, v15;
	v14 =	vperm.xlane v14, v4;
	_, v15, _ =	vpop (xrf1)  }
0x38: {  	v11 =	vld [tilespmem:s24+$0x10];
	v15 =	vsel vm0, v15, v16  }
0x39: {  	(xrf1) =	vsort.dscd.msk.f32 $0xffff, v7, v7;
	v14 =	vsel vm0, v17, v14;
	v17 =	vperm.xlane v10, v4  }
0x3a: {  	v8 =	vld [tilespmem:s24+$0x0];
	(xrf1) =	vsort.dscd.msk.f32 $0xffff, v14, v14;
	v14 =	vperm.xlane v19, v1;
	_, v20, _ =	vpop (xrf1)  }
0x3b: {  	v10 =	vld [tilespmem:s24+$0xFFFFFFE0];
	v16 =	vmul.f32 $1.442695020e+00, v7;
	(xrf1) =	vsort.dscd.msk.f32 $0xffff, v15, v15;
	v17 =	vsel vm0, v20, v17;
	v15 =	vpop (erf)  }
0x3c: {  	v14 =	vadd.f32 v19, v14;
	v24 =	vpop (erf)  }
0x3d: {  	(xrf1) =	vsort.dscd.msk.f32 $0xffff, v11, v11;
	(erf) = vpow2.f32 v16;
	v19 =	vpop (erf)  }
0x3e: {  	(xrf1) =	vsort.dscd.msk.f32 $0xffff, v17, v17;
	v16 =	vperm.xlane v14, v2;
	v17 =	vpop (erf)  }
0x3f: {  	s25 =	sadd.s32 $0x0, s13;
	v20 =	vadd.f32 v15, v24;
	v22 =	vadd.f32 v17, v19  }
0x40: {  	s26 =	sshra.s32 s25, $0x1F;
	(xrf1) =	vsort.dscd.msk.f32 $0xffff, v8, v8;
	v14 =	vadd.f32 v14, v16;
	v16 =	vmul.f32 $1.442695020e+00, v10  }
0x41: {  	s17 =	sshrl.u32 s26, $0x12;
	s16 =	sshrl.u32 s26, $0x1C;
	(xrf1) =	vsort.dscd.msk.f32 $0xffff, v10, v10;
	v20 =	vadd.f32 v22, v20  }
0x42: {  	s17 =	sadd.s32 s17, s25;
	s16 =	sadd.s32 s16, s25;
	(erf) = vpow2.f32 v16  }
0x43: {  	s17 =	sand.u32 $0xFFFFC000, s17;
	s16 =	sand.u32 $0xFFFFFFF0, s16;
	v27 =	vmul.f32 $1.442695020e+00, v11;
	v26 =	vperm.xlane v20, v0  }
0x44: {  	s17 =	ssub.s32 s25, s17;
	s15 =	ssub.s32 s25, s16;
	v23 =	vmul.f32 $1.442695020e+00, v8;
	v22 =	vperm.xlane v14, v3  }
0x45: {  	s16 =	ssub.s32 s17, s15;
	v20 =	vadd.f32 v20, v26  }
0x46: {  	v14 =	vadd.f32 v14, v22;
	v22 =	vld [tilespmem:s16+$0x8000];
	v16 =	vpop (erf);
	(erf) = vpow2.f32 v23  }
0x47: {  	s28 =	simm.s32 $0xE0;
	(erf) = vpow2.f32 v27;
	v23 =	vperm.xlane v20, v1  }
0x48: {  	(erf) = vrcp.f32 v14;
	v14 =	vld [tilespmem:s28+$0xFFFFFFF0];
	_, v26, _ =	vpop (xrf1)  }
0x49: {  	_, v27, _ =	vpop (xrf1);
	v42 =	vadd.f32 v20, v23;
	v20 =	vmov s15  }
0x4a: {  	_, v37, _ =	vpop (xrf1);
	v43 =	vperm.xlane v27, v5  }
0x4b: {  	v44 =	vperm.xlane v22, v20;
	v22 =	vpop (erf)  }
0x4c: {  	v23 =	vld [tilespmem:s28+$0x10];
	v47 =	vperm.xlane v26, v4;
	_, v27, _ =	vpop (xrf1);
	v37 =	vperm.xlane v37, v4;
	vm1 =	vge.f32 v18, v43  }
0x4d: {  	v45 =	vperm.xlane v42, v2;
	(xrf1) =	vsort.dscd.msk.f32 $0xffff, v14, v14;
	v27 =	vperm.xlane v27, v4;
	_, v20, _ =	vpop (xrf1);
	v26 =	vnsel vm1, $0x0, v44  }
0x4e: {  	v49 =	vmul.f32 $1.442695020e+00, v14;
	v52 =	vadd.f32 v16, v22;
	v18 =	vld [tilespmem:s28+$0x0];
	_, v46, _ =	vpop (xrf1);
	v48 =	vsel vm0, v20, v37  }
0x4f: {  	vm2 =	vge.f32 v35, v43;
	v46 =	vsel vm0, v46, v27;
	_, v50, _ =	vpop (xrf1);
	(xrf1) =	vsort.dscd.msk.f32 $0xffff, v48, v48  }
0x50: {  	vm3 =	vge.f32 v34, v43;
	(erf) = vpow2.f32 v49;
	v20 =	vld [tilespmem:s28+$0xFFFFFFE0];
	v27 =	vadd.f32 v26, v25;
	v26 =	vpop (erf);
	(xrf1) =	vsort.dscd.msk.f32 $0xffff, v46, v46  }
0x51: {  	v42 =	vadd.f32 v42, v45;
	v47 =	vsel vm0, v50, v47;
	v25 =	vpop (erf);
	(xrf1) =	vsort.dscd.msk.f32 $0xffff, v23, v23  }
0x52: {  	vm1 =	vge.f32 v36, v43;
	v61 =	vnsel vm2, $0x0, v44;
	v54 =	vadd.f32 v25, v26;
	(xrf1) =	vsort.dscd.msk.f32 $0xffff, v47, v47  }
0x53: {  	s29 =	sadd.s32 $0x1, s13;
	v60 =	vnsel vm1, $0x0, v44;
	v32 =	vadd.f32 v61, v32;
	v53 =	vperm.xlane v42, v3;
	(xrf1) =	vsort.dscd.msk.f32 $0xffff, v18, v18  }
0x54: {  	s30 =	sshra.s32 s29, $0x1F;
	v37 =	vmul.f32 $1.442695020e+00, v23;
	v31 =	vadd.f32 v60, v31;
	v55 =	vpop (erf);
	v59 =	vadd.f32 v54, v52  }
0x55: {  	s31 =	sshrl.u32 s30, $0x12;
	s16 =	sshrl.u32 s30, $0x1C;
	v35 =	vadd.f32 v42, v53;
	v56 =	vmul.f32 $1.442695020e+00, v18;
	v57 =	vmul.f32 v44, v55;
	(xrf1) =	vsort.dscd.msk.f32 $0xffff, v20, v20  }
0x56: {  	s17 =	sadd.s32 s31, s29;
	s16 =	sadd.s32 s16, s29;
	v58 =	vmul.f32 $1.442695020e+00, v20;
	v44 =	vnsel vm3, $0x0, v44;
	v62 =	vperm.xlane v59, v0  }
0x57: {  	s17 =	sand.u32 $0xFFFFC000, s17;
	s16 =	sand.u32 $0xFFFFFFF0, s16;
	v28 =	vadd.f32 v44, v28;
	v41 =	vmul.f32 v57, v41;
	v40 =	vmul.f32 v57, v40  }
0x58: {  	s18 =	ssub.s32 s29, s17;
	s19 =	ssub.s32 s29, s16;
	v63 =	vmul.f32 v57, v39;
	(erf) = vpow2.f32 v58;
	v39 =	vadd.f32 v59, v62  }
0x59: {  	s17 =	simm.s32 $0x2;
	s18 =	ssub.s32 s18, s19;
	v36 =	vmul.f32 v57, v38;
	v34 =	vpop (erf);
	(erf) = vpow2.f32 v56;
	v33 =	vadd.f32 v41, v33  }
0x5a: {  	s16 =	simm.s32 $0x3;
	s15 =	simm.s32 $0x4;
	v38 =	vld [tilespmem:s18+$0x8000];
	s18 =	simm.s32 $0x120;
	v29 =	vadd.f32 v40, v29;
	v30 =	vadd.f32 v63, v30;
	v40 =	vperm.xlane v39, v1  }
.LBB2_3:
0x5b: {  	(erf) = vpow2.f32 v37;
	_, v37, _ =	vpop (xrf1);
	v6 =	vadd.f32 v36, v6;
	v36 =	vmov v19  }
0x5c: {  	v41 =	vld [tilespmem:s18+$0xFFFFFFF0];
	v19 =	vmovc v26;
	v42 =	vmovc v17;
	v17 =	vmov v25;
	v43 =	vmov v15;
	v15 =	vmov v16;
	s20 =	smov.u32 s15  }
0x5d: {  	v16 =	vmov v34;
	v25 =	vadd.f32 v39, v40;
	_, v26, _ =	vpop (xrf1);
	(erf) = vrcp.f32 v35  }
0x5e: {  	_, v34, _ =	vpop (xrf1);
	v39 =	vperm.xlane v26, v5;
	v26 =	vmov s19  }
0x5f: {  	s15 =	sadd.s32 $0x1, s15;
	v40 =	vld [tilespmem:s18+$0x10];
	_, v35, _ =	vpop (xrf1);
	v34 =	vperm.xlane v34, v4;
	v38 =	vperm.xlane v38, v26  }
0x60: {  	p0 =	sne.s32 s15, $0x200;
	v49 =	vperm.xlane v35, v4;
	v35 =	vperm.xlane v25, v2;
	_, v44, _ =	vpop (xrf1);
	vm1 =	vge.f32 v13, v39  }
0x61: {  	v46 =	vperm.xlane v37, v4;
	v45 =	vld [tilespmem:s18+$0x0];
	(xrf1) =	vsort.dscd.msk.f32 $0xffff, v41, v41;
	_, v13, _ =	vpop (xrf1);
	v34 =	vsel vm0, v44, v34;
	v37 =	vnsel vm1, $0x0, v38  }
0x62: {  	v44 =	vmul.f32 $1.442695020e+00, v41;
	v49 =	vsel vm0, v13, v49;
	v47 =	vpop (erf);
	(xrf1) =	vsort.dscd.msk.f32 $0xffff, v34, v34;
	v27 =	vadd.f32 v37, v27  }
0x63: {  	v35 =	vadd.f32 v25, v35;
	v13 =	vmov v11;
	v48 =	vld [tilespmem:s18+$0xFFFFFFE0];
	v34 =	vadd.f32 v16, v47;
	_, v26, _ =	vpop (xrf1);
	(xrf1) =	vsort.dscd.msk.f32 $0xffff, v49, v49  }
0x64: {  	v37 =	vmul.f32 $1.442695020e+00, v40;
	(erf) = vpow2.f32 v44;
	(xrf1) =	vsort.dscd.msk.f32 $0xffff, v40, v40;
	v46 =	vsel vm0, v26, v46;
	v26 =	vpop (erf)  }
0x65: {  	vm1 =	vge.f32 v21, v39;
	v11 =	vmov v23;
	v44 =	vperm.xlane v35, v3;
	v25 =	vpop (erf);
	(xrf1) =	vsort.dscd.msk.f32 $0xffff, v46, v46  }
0x66: {  	s19 =	sadd.s32 s17, s13;
	s17 =	smov.u32 s16;
	s16 =	smov.u32 s20;
	vm2 =	vge.f32 v9, v39;
	v46 =	vmul.f32 $1.442695020e+00, v45;
	(xrf1) =	vsort.dscd.msk.f32 $0xffff, v45, v45;
	v21 =	vadd.f32 v25, v26;
	v9 =	vpop (erf)  }
0x67: {  	s20 =	sshra.s32 s19, $0x1F;
	vm3 =	vge.f32 v12, v39;
	v35 =	vadd.f32 v35, v44;
	v44 =	vmul.f32 v38, v9;
	v9 =	vmovc v7  }
0x68: {  	s21 =	sshrl.u32 s20, $0x12;
	s20 =	sshrl.u32 s20, $0x1C;
	v7 =	vmovc v14;
	v39 =	vmul.f32 $1.442695020e+00, v48;
	(xrf1) =	vsort.dscd.msk.f32 $0xffff, v48, v48;
	v21 =	vadd.f32 v21, v34;
	v34 =	vnsel vm1, $0x0, v38  }
0x69: {  	s21 =	sadd.s32 s21, s19;
	s20 =	sadd.s32 s20, s19;
	v49 =	vnsel vm2, $0x0, v38;
	v23 =	vmovc v40;
	v14 =	vmovc v41;
	v50 =	vmul.f32 v44, v24;
	v43 =	vmul.f32 v44, v43  }
.Ltmp0:
0x6a: {  	v12 =	vmovc v8;
	v8 =	vmovc v18;
	s21 =	sand.u32 $0xFFFFC000, s21;
	s20 =	sand.u32 $0xFFFFFFF0, s20;
	v38 =	vnsel vm3, $0x0, v38;
	v41 =	vmul.f32 v44, v36;
	v40 =	vperm.xlane v21, v0;
	(pc) =	sbr.rel @p0 .LBB2_3-.Ltmp0, $4  }
0x6b: {  	s21 =	ssub.s32 s19, s21;
	s19 =	ssub.s32 s19, s20;
	v32 =	vadd.f32 v49, v32;
	v18 =	vmovc v45;
	v31 =	vadd.f32 v34, v31;
	v36 =	vmul.f32 v44, v42  }
0x6c: {  	s20 =	ssub.s32 s21, s19;
	v28 =	vadd.f32 v38, v28;
	v24 =	vmovc v22;
	v22 =	vmovc v47;
	(erf) = vpow2.f32 v39;
	v39 =	vadd.f32 v21, v40  }
0x6d: {  	v33 =	vadd.f32 v50, v33;
	v29 =	vadd.f32 v43, v29;
	v21 =	vmov v10;
	v34 =	vpop (erf);
	v38 =	vld [tilespmem:s20+$0x8000]  }
0x6e: {  	s18 =	sadd.s32 $0x40, s18;
	v30 =	vadd.f32 v41, v30;
	v10 =	vmovc v20;
	v20 =	vmovc v48;
	(erf) = vpow2.f32 v46;
	v40 =	vperm.xlane v39, v1  }
0x6f: {  	_, v41, _ =	vpop (xrf1)  }
0x70: {  	_, v42, _ =	vpop (xrf1)  }
0x71: {  	(erf) = vpow2.f32 v37;
	_, v43, _ =	vpop (xrf1)  }
0x72: {  	_, v44, _ =	vpop (xrf1);
	v43 =	vperm.xlane v43, v4  }
0x73: {  	v62 =	vperm.xlane v44, v4;
	_, v63, _ =	vpop (xrf1)  }
0x74: {  	_, v45, _ =	vpop (xrf1);
	v43 =	vsel vm0, v63, v43  }
0x75: {  	v41 =	vperm.xlane v41, v4;
	v37 =	vsel vm0, v45, v62;
	(xrf1) =	vsort.dscd.msk.f32 $0xffff, v43, v43  }
0x76: {  	_, v47, _ =	vpop (xrf1);
	(xrf1) =	vsort.dscd.msk.f32 $0xffff, v37, v37  }
0x77: {  	v48 =	vsel vm0, v47, v41  }
0x78: {  	(xrf1) =	vsort.dscd.msk.f32 $0xffff, v48, v48;
	v37 =	vpop (erf)  }
0x79: {  	v41 =	vpop (erf)  }
0x7a: {  	v43 =	vpop (erf)  }
0x7b: {  	v49 =	vadd.f32 v34, v37;
	v50 =	vadd.f32 v43, v41  }
0x7c: {  	v39 =	vadd.f32 v39, v40  }
0x7d: {  	v51 =	vadd.f32 v50, v49  }
0x7e: {  	v52 =	vperm.xlane v39, v2  }
0x7f: {  	(erf) = vrcp.f32 v35;
	v44 =	vperm.xlane v51, v0  }
0x80: {  	v35 =	vadd.f32 v39, v52  }
0x81: {  	s17 =	sadd.s32 s17, s13;
	v53 =	vadd.f32 v51, v44  }
0x82: {  	s18 =	sshra.s32 s17, $0x1F;
	v55 =	vperm.xlane v35, v3  }
0x83: {  	s28 =	sshrl.u32 s18, $0x12;
	s18 =	sshrl.u32 s18, $0x1C;
	_, v54, _ =	vpop (xrf1);
	v47 =	vperm.xlane v53, v1  }
0x84: {  	v46 =	vmov s19;
	v42 =	vperm.xlane v42, v5;
	s19 =	sadd.s32 s28, s17;
	s18 =	sadd.s32 s18, s17;
	v35 =	vadd.f32 v35, v55;
	_, v56, _ =	vpop (xrf1)  }
0x85: {  	v38 =	vperm.xlane v38, v46;
	s19 =	sand.u32 $0xFFFFC000, s19;
	s18 =	sand.u32 $0xFFFFFFF0, s18;
	v45 =	vperm.xlane v56, v4;
	v39 =	vadd.f32 v53, v47  }
0x86: {  	v6 =	vadd.f32 v36, v6;
	vm1 =	vge.f32 v13, v42;
	s19 =	ssub.s32 s17, s19;
	s17 =	ssub.s32 s17, s18;
	(erf) = vrcp.f32 v35;
	_, v57, _ =	vpop (xrf1)  }
0x87: {  	v58 =	vnsel vm1, $0x0, v38;
	s18 =	ssub.s32 s19, s17;
	v13 =	vsel vm0, v57, v45;
	v59 =	vperm.xlane v39, v2  }
0x88: {  	s16 =	sadd.s32 s16, s13;
	vm2 =	vge.f32 v9, v42;
	v62 =	vld [tilespmem:s18+$0x8000];
	(xrf1) =	vsort.dscd.msk.f32 $0xffff, v13, v13;
	v13 =	vadd.f32 v58, v27;
	v27 =	vpop (erf)  }
0x89: {  	s29 =	sshra.s32 s16, $0x1F;
	vm3 =	vge.f32 v12, v42;
	v60 =	vmul.f32 v38, v27;
	v27 =	vadd.f32 v39, v59  }
0x8a: {  	s30 =	sshrl.u32 s29, $0x12;
	vm1 =	vge.f32 v21, v42;
	v63 =	vnsel vm2, $0x0, v38;
	v42 =	vnsel vm3, $0x0, v38;
	s18 =	sshrl.u32 s29, $0x1C  }
0x8b: {  	s31 =	sadd.s32 s30, s16;
	v61 =	vnsel vm1, $0x0, v38;
	v46 =	vmov s17;
	s18 =	sadd.s32 s18, s16;
	v44 =	vperm.xlane v27, v3  }
0x8c: {  	v28 =	vadd.f32 v42, v28;
	s17 =	sand.u32 $0xFFFFC000, s31;
	v12 =	vadd.f32 v61, v31;
	s18 =	sand.u32 $0xFFFFFFF0, s18;
	v45 =	vperm.xlane v54, v5  }
0x8d: {  	v31 =	vadd.f32 v63, v32;
	s17 =	ssub.s32 s16, s17;
	s16 =	ssub.s32 s16, s18;
	v21 =	vperm.xlane v62, v46;
	v27 =	vadd.f32 v27, v44  }
0x8e: {  	v56 =	vmov s16;
	vm1 =	vge.f32 v11, v45;
	vm2 =	vge.f32 v7, v45  }
0x8f: {  	v49 =	vpop (erf);
	vm3 =	vge.f32 v8, v45;
	v48 =	vnsel vm1, $0x0, v21;
	(erf) = vrcp.f32 v27  }
0x90: {  	vm1 =	vge.f32 v10, v45;
	v50 =	vmul.f32 v21, v49;
	v8 =	vnsel vm2, $0x0, v21  }
0x91: {  	s17 =	ssub.s32 s17, s16;
	v53 =	vnsel vm3, $0x0, v21;
	v24 =	vmul.f32 v60, v24;
	v15 =	vmul.f32 v60, v15  }
0x92: {  	v51 =	vld [tilespmem:s17+$0x8000];
	v19 =	vmul.f32 v60, v19;
	v9 =	vmul.f32 v60, v17;
	v7 =	vnsel vm1, $0x0, v21  }
0x93: {  	v8 =	vadd.f32 v8, v31;
	v52 =	vmul.f32 v50, v22;
	v7 =	vadd.f32 v7, v12  }
0x94: {  	v16 =	vmul.f32 v50, v16;
	v24 =	vadd.f32 v24, v33;
	v15 =	vadd.f32 v15, v29  }
0x95: {  	v54 =	vmul.f32 v50, v26;
	v47 =	vadd.f32 v19, v30;
	v6 =	vadd.f32 v9, v6  }
0x96: {  	v10 =	vmul.f32 v50, v25;
	v9 =	vadd.f32 v48, v13;
	v19 =	vadd.f32 v53, v28;
	_, v55, _ =	vpop (xrf1)  }
0x97: {  	v13 =	vperm.xlane v51, v56;
	v17 =	vadd.f32 v52, v24;
	v12 =	vperm.xlane v55, v5  }
0x98: {  	v15 =	vadd.f32 v16, v15;
	v11 =	vadd.f32 v54, v47;
	v58 =	vpop (erf)  }
0x99: {  	v6 =	vadd.f32 v10, v6;
	vm1 =	vge.f32 v23, v12;
	v59 =	vmul.f32 v13, v58  }
0x9a: {  	s14 =	sadd.s32 $0x1, s14;
	vm2 =	vge.f32 v14, v12;
	vm3 =	vge.f32 v18, v12;
	v57 =	vnsel vm1, $0x0, v13  }
0x9b: {  	p0 =	sne.s32 s14, $0x18;
	vm1 =	vge.f32 v20, v12;
	v61 =	vnsel vm2, $0x0, v13;
	v25 =	vadd.f32 v57, v9  }
.Ltmp1:
0x9c: {  	v60 =	vnsel vm1, $0x0, v13;
	v62 =	vmul.f32 v59, v37;
	v16 =	vmul.f32 v59, v34;
	(pc) =	sbr.rel @p0 .LBB2_2-.Ltmp1, $4  }
0x9d: {  	v13 =	vnsel vm3, $0x0, v13;
	v31 =	vadd.f32 v60, v7;
	v7 =	vmul.f32 v59, v43  }
0x9e: {  	v63 =	vmul.f32 v59, v41;
	v32 =	vadd.f32 v61, v8;
	v28 =	vadd.f32 v13, v19  }
0x9f: {  	v33 =	vadd.f32 v62, v17;
	v6 =	vadd.f32 v7, v6  }
0xa0: {  	s13 =	sadd.s32 s15, s13;
	v29 =	vadd.f32 v16, v15;
	v30 =	vadd.f32 v63, v11  }
0xa1: {  	[tilespmem:$0xC000] =	vst v31  }
0xa2: {  	[tilespmem:$0xC040] =	vst v33  }
0xa3: {  	[tilespmem:$0xC010] =	vst v32  }
0xa4: {  	[tilespmem:$0xC020] =	vst v28  }
0xa5: {  	[tilespmem:$0xC030] =	vst v25  }
0xa6: {  	[tilespmem:$0xC070] =	vst v6;
	s12 =	sadd.s32 $0x1, s12  }
0xa7: {  	[tilespmem:$0xC050] =	vst v29;
	p0 =	sne.s32 s12, s8  }
.Ltmp2:
0xa8: {  	[tilespmem:$0xC060] =	vst v30;
	(pc) =	sbr.rel @p0 .LBB2_1-.Ltmp2, $4  }
0xa9: {  	[hbm4b:s7+s2] =	stream.linear.scatter [tilespmem:s11], [sflag:$0x1], $0x80, $0x38;
	[tilespmem:$0xC080] =	vst v63  }
0xaa: {  	_ =	swait.ge [sflag:s10], $0x80  }
0xab: {  	[sflag:s10] =	ssyncset.done $0x0  }
0xac: {  	[sflag:s10] =	ssyncadd.s32 $0xFFFFFF80  }
0xad: {  	_ =	sfence.sel $0x180000  }
0xae: {  	[bflag:$0x0] =	sbarrier.arrive $0xFFFF  }
0xaf: {  	p0 =	sne.s32 s3, $0x0;
	_ =	strace $0x90000047  }
0xb0: {  	s0 =	sadd.s32 @!p0 $0x100000, s0;
	[bflag:$0x2] =	sbarrier.arrive $0xFFFF  }
0xb1: {  	[sflag:s0] =	ssyncadd.tile.s32 @!p0 $0x1;
	_ =	shalt  }
.Lfunc_end2:
_tile_overlayer_lowered:
.L_overlay_start_2:
0xb2: {  	(tag) =	ssettag $0x2  }
0xb3: {  	s0 =	rddreg [dreg:$0x0];
	s2 =	stileid.u32  }
0xb4: {  	s1 =	rddreg [dreg:$0x1];
	p0 =	sne.s32 s2, $0x0  }
0xb5: {  	s3 =	rddreg [dreg:$0x2];
	[bflag:$0x3] =	sbarrier.arrive $0xFFFF;
	s2 =	simm.s32 @!p0 $0x1C01  }
0xb6: {  	[timem:s3], [sflag:s2] =	dma.local @!p0 [hbm:s0], s1  }
0xb7: {  	s0 =	simm.s32 @!p0 $0x1  }
0xb8: {  	_ =	swait.ge @!p0 [sflag:s0], s1  }
0xb9: {  	s1 =	ssub.s32 @!p0 $0x0, s1;
	[sflag:s0] =	ssyncset.done @!p0 $0x0  }
0xba: {  	[sflag:s0] =	ssyncadd.s32 @!p0 s1  }
0xbb: {  	[bflag:$0x3] =	sbarrier.arrive $0xFFFF  }
0xbc: {  	_ =	shalt  }

</sc_bundles>
